<compile_context>
chip_gen: v7x
topology: tpu7x:2x2x1
jax: 0.10.2.dev20260603
libtpu: 0.0.44.dev20260713+nightly
codegen_flags: <defaults>
</compile_context>

<pallas_src>
import functools

import jax
import jax.numpy as jnp
from jax import lax
from jax.experimental import pallas as pl
from jax.experimental.pallas import tpu as pltpu
from jax.experimental.pallas import tpu_sc as plsc

B, H, S, D, T = 8, 16, 2048, 128, 16
BHS = B * H * S

NC, NS = 1, 16
NW = NC * NS
ROWS = B * H * T
RPW = ROWS // NW
GPW = RPW // T

_mesh = plsc.VectorSubcoreMesh(core_axis_name="c", subcore_axis_name="s",
                               num_cores=NC)


@functools.partial(
    pl.kernel,
    out_type=(),
    mesh=_mesh,
    scratch_types=[
        pltpu.VMEM((T,), jnp.int32),
        pltpu.VMEM((RPW,), jnp.int32),
        pltpu.VMEM((RPW, D), jnp.float32),
        pltpu.VMEM((RPW, D), jnp.float32),
        pltpu.SemaphoreType.DMA,
        pltpu.SemaphoreType.DMA,
    ],
)
def _scatter_update(ck_ref, cv_ref, nk_hbm, nv_hbm, pos_hbm,
                    pos_v, idx_v, krows_v, vrows_v, semk, semv):
    wid = lax.axis_index("s") * NC + lax.axis_index("c")
    base = wid * RPW
    cpk_in = pltpu.async_copy(nk_hbm.at[pl.ds(base, RPW)], krows_v, semk)
    cpv_in = pltpu.async_copy(nv_hbm.at[pl.ds(base, RPW)], vrows_v, semv)
    pltpu.sync_copy(pos_hbm, pos_v)
    pos = pos_v[...]
    for g in range(GPW):
        bh = wid * GPW + g
        idx_v[pl.ds(g * T, T)] = pos + bh * S
    cpk_in.wait()
    cpv_in.wait()
    cpk = pltpu.async_copy(krows_v, ck_ref.at[idx_v], semk)
    cpv = pltpu.async_copy(vrows_v, cv_ref.at[idx_v], semv)
    cpk.wait()
    cpv.wait()


def kernel(cache_k, cache_v, new_k, new_v, position_ids):
    pos = position_ids.astype(jnp.int32)
    ck = jax.new_ref(cache_k.reshape(BHS, D))
    cv = jax.new_ref(cache_v.reshape(BHS, D))
    _scatter_update(ck, cv,
                    new_k.reshape(ROWS, D),
                    new_v.reshape(ROWS, D),
                    pos)
    return (ck[...].reshape(B, H, S, D), cv[...].reshape(B, H, S, D))

# --- scband reference (transcript-rebuilt; emitter-appended) ---
"""Pipeline reference for scband-static-scatter-cache-update-39779987096357 (READ-ONLY COPY).

The authoritative reference and input builder live on the scoring server;
editing this copy changes nothing except your own understanding.
"""

import jax, jax.numpy as jnp
import numpy as np

B, H, S, D, T = 8, 16, 2048, 128, 16

def setup_inputs(seed: int = 0) -> dict:
    key = jax.random.key(seed)
    k1, k2, k3, k4 = jax.random.split(key, 4)
    cache_k = jax.random.normal(k1, (B, H, S, D), dtype=jnp.float32)
    cache_v = jax.random.normal(k2, (B, H, S, D), dtype=jnp.float32)
    new_k = jax.random.normal(k3, (B, H, T, D), dtype=jnp.float32)
    new_v = jax.random.normal(k4, (B, H, T, D), dtype=jnp.float32)
    position_ids = jnp.arange(T, dtype=jnp.int64) if jax.config.read('jax_enable_x64') else jnp.arange(T, dtype=jnp.int32)
    return {
        'cache_k': cache_k,
        'cache_v': cache_v,
        'new_k': new_k,
        'new_v': new_v,
        'position_ids': position_ids,
    }

def reference(cache_k, cache_v, new_k, new_v, position_ids):
    # torch scatter(dim=2, index=pos.expand(B,H,T,D), src=new_kv) with a
    # per-position index broadcast over B, H, D is exactly an overwrite of
    # rows `position_ids` along the sequence axis.
    updated_k = cache_k.at[:, :, position_ids, :].set(new_k)
    updated_v = cache_v.at[:, :, position_ids, :].set(new_v)
    return (updated_k, updated_v)

if __name__ == "__main__":
    import jax
    _d = setup_inputs()
    print(jax.jit(kernel)(*tuple(_d.values())))

</pallas_src>

<mosaic_0001>
#map = affine_map<(d0, d1) -> (0, 0)>
#map1 = affine_map<(d0, d1) -> (0)>
module attributes {stable_mosaic.version = 14 : i64} {
  func.func @new_body(%arg0: i32, %arg1: i32, %arg2: memref<262144x128xf32, #tpu.memory_space<hbm>>, %arg3: memref<262144x128xf32, #tpu.memory_space<hbm>>, %arg4: memref<2048x128xf32, #tpu.memory_space<hbm>>, %arg5: memref<2048x128xf32, #tpu.memory_space<hbm>>, %arg6: memref<16xi32, #tpu.memory_space<hbm>>, %arg7: memref<262144x128xf32, #tpu.memory_space<hbm>>, %arg8: memref<262144x128xf32, #tpu.memory_space<hbm>>, %arg9: memref<16xi32, #tpu.memory_space<vmem>>, %arg10: memref<128xi32, #tpu.memory_space<vmem>>, %arg11: memref<128x128xf32, #tpu.memory_space<vmem>>, %arg12: memref<128x128xf32, #tpu.memory_space<vmem>>, %arg13: memref<!tpu.dma_semaphore, #tpu.memory_space<semaphore_mem>>, %arg14: memref<!tpu.dma_semaphore, #tpu.memory_space<semaphore_mem>>) attributes {dimension_semantics = [#tpu.dimension_semantics<core_parallel>, #tpu.dimension_semantics<subcore_parallel>], iteration_bounds = array<i64: 1, 16>, scalar_prefetch = 0 : i64, scratch_operands = 6 : i64, tpu.core_type = #tpu.core_type<sc_vector_subcore>, window_params = [{transform_indices = #map}, {transform_indices = #map}, {transform_indices = #map}, {transform_indices = #map}, {transform_indices = #map1}, {transform_indices = #map}, {transform_indices = #map}]} {
    %mul3A = arith.constant 1 : i32
    %mul3A_0 = arith.muli %arg1, %mul3A : i32
    %add3A = arith.addi %mul3A_0, %arg0 : i32
    %mul3A_1 = arith.constant 128 : i32
    %mul3A_2 = arith.muli %add3A, %mul3A_1 : i32
    %dma_start3A = arith.constant 0 : i32
    %dma_start3A_3 = tpu.memref_slice %arg4[%mul3A_2, %dma_start3A] : memref<2048x128xf32, #tpu.memory_space<hbm>> -> memref<128x128xf32, #tpu.memory_space<hbm>>
    %dma_start3A_4 = arith.constant 0 : i32
    %dma_start3A_5 = tpu.memref_slice %arg4[%mul3A_2, %dma_start3A_4] : memref<2048x128xf32, #tpu.memory_space<hbm>> -> memref<128x128xf32, #tpu.memory_space<hbm>>
    tpu.enqueue_dma source(%dma_start3A_5 : memref<128x128xf32, #tpu.memory_space<hbm>>) target(%arg11 : memref<128x128xf32, #tpu.memory_space<vmem>>) target_semaphore(%arg13 : memref<!tpu.dma_semaphore, #tpu.memory_space<semaphore_mem>>)
    %dma_start3A_6 = arith.constant 0 : i32
    %dma_start3A_7 = tpu.memref_slice %arg5[%mul3A_2, %dma_start3A_6] : memref<2048x128xf32, #tpu.memory_space<hbm>> -> memref<128x128xf32, #tpu.memory_space<hbm>>
    %dma_start3A_8 = arith.constant 0 : i32
    %dma_start3A_9 = tpu.memref_slice %arg5[%mul3A_2, %dma_start3A_8] : memref<2048x128xf32, #tpu.memory_space<hbm>> -> memref<128x128xf32, #tpu.memory_space<hbm>>
    tpu.enqueue_dma source(%dma_start3A_9 : memref<128x128xf32, #tpu.memory_space<hbm>>) target(%arg12 : memref<128x128xf32, #tpu.memory_space<vmem>>) target_semaphore(%arg14 : memref<!tpu.dma_semaphore, #tpu.memory_space<semaphore_mem>>)
    "tpu.region"() ({
      %run_scoped3A = tpu.sem_alloc : memref<!tpu.dma_semaphore, #tpu.memory_space<semaphore_mem>>
      tpu.enqueue_dma source(%arg6 : memref<16xi32, #tpu.memory_space<hbm>>) target(%arg9 : memref<16xi32, #tpu.memory_space<vmem>>) target_semaphore(%run_scoped3A : memref<!tpu.dma_semaphore, #tpu.memory_space<semaphore_mem>>)
      tpu.wait_dma2 semaphore(%run_scoped3A : memref<!tpu.dma_semaphore, #tpu.memory_space<semaphore_mem>>) src(%arg6 : memref<16xi32, #tpu.memory_space<hbm>>) dst(%arg9 : memref<16xi32, #tpu.memory_space<vmem>>)
      tpu.yield
    }) : () -> ()
    %get3A = arith.constant 0 : index
    %get3A_10 = tpu.vector_load %arg9[%get3A] {strides = array<i32>} : memref<16xi32, #tpu.memory_space<vmem>>, vector<16xi32>,
    %get3A_11 = vector.shape_cast %get3A_10 : vector<16xi32> to vector<16xi32>
    %mul3A_12 = arith.constant 8 : i32
    %mul3A_13 = arith.muli %add3A, %mul3A_12 : i32
    %add3A_14 = arith.constant 0 : i32
    %add3A_15 = arith.addi %mul3A_13, %add3A_14 : i32
    %mul3A_16 = arith.constant 2048 : i32
    %mul3A_17 = arith.muli %add3A_15, %mul3A_16 : i32
    %add3A_18 = vector.broadcast %mul3A_17 : i32 to vector<16xi32>
    %add3A_19 = arith.addi %get3A_11, %add3A_18 : vector<16xi32>
    %swap3A = arith.constant 0 : index
    %swap3A_20 = tpu.vector_load %arg10[%swap3A] {strides = array<i32>} : memref<128xi32, #tpu.memory_space<vmem>>, vector<16xi32>,
    %swap3A_21 = vector.shape_cast %swap3A_20 : vector<16xi32> to vector<16xi32>
    %swap3A_22 = vector.shape_cast %add3A_19 : vector<16xi32> to vector<16xi32>
    tpu.vector_store %arg10[%swap3A], %swap3A_22 {strides = array<i32>} : memref<128xi32, #tpu.memory_space<vmem>>, vector<16xi32>,
    %mul3A_23 = arith.constant 8 : i32
    %mul3A_24 = arith.muli %add3A, %mul3A_23 : i32
    %add3A_25 = arith.constant 1 : i32
    %add3A_26 = arith.addi %mul3A_24, %add3A_25 : i32
    %mul3A_27 = arith.constant 2048 : i32
    %mul3A_28 = arith.muli %add3A_26, %mul3A_27 : i32
    %add3A_29 = vector.broadcast %mul3A_28 : i32 to vector<16xi32>
    %add3A_30 = arith.addi %get3A_11, %add3A_29 : vector<16xi32>
    %swap3A_31 = arith.constant 16 : index
    %swap3A_32 = tpu.vector_load %arg10[%swap3A_31] {strides = array<i32>} : memref<128xi32, #tpu.memory_space<vmem>>, vector<16xi32>,
    %swap3A_33 = vector.shape_cast %swap3A_32 : vector<16xi32> to vector<16xi32>
    %swap3A_34 = vector.shape_cast %add3A_30 : vector<16xi32> to vector<16xi32>
    tpu.vector_store %arg10[%swap3A_31], %swap3A_34 {strides = array<i32>} : memref<128xi32, #tpu.memory_space<vmem>>, vector<16xi32>,
    %mul3A_35 = arith.constant 8 : i32
    %mul3A_36 = arith.muli %add3A, %mul3A_35 : i32
    %add3A_37 = arith.constant 2 : i32
    %add3A_38 = arith.addi %mul3A_36, %add3A_37 : i32
    %mul3A_39 = arith.constant 2048 : i32
    %mul3A_40 = arith.muli %add3A_38, %mul3A_39 : i32
    %add3A_41 = vector.broadcast %mul3A_40 : i32 to vector<16xi32>
    %add3A_42 = arith.addi %get3A_11, %add3A_41 : vector<16xi32>
    %swap3A_43 = arith.constant 32 : index
    %swap3A_44 = tpu.vector_load %arg10[%swap3A_43] {strides = array<i32>} : memref<128xi32, #tpu.memory_space<vmem>>, vector<16xi32>,
    %swap3A_45 = vector.shape_cast %swap3A_44 : vector<16xi32> to vector<16xi32>
    %swap3A_46 = vector.shape_cast %add3A_42 : vector<16xi32> to vector<16xi32>
    tpu.vector_store %arg10[%swap3A_43], %swap3A_46 {strides = array<i32>} : memref<128xi32, #tpu.memory_space<vmem>>, vector<16xi32>,
    %mul3A_47 = arith.constant 8 : i32
    %mul3A_48 = arith.muli %add3A, %mul3A_47 : i32
    %add3A_49 = arith.constant 3 : i32
    %add3A_50 = arith.addi %mul3A_48, %add3A_49 : i32
    %mul3A_51 = arith.constant 2048 : i32
    %mul3A_52 = arith.muli %add3A_50, %mul3A_51 : i32
    %add3A_53 = vector.broadcast %mul3A_52 : i32 to vector<16xi32>
    %add3A_54 = arith.addi %get3A_11, %add3A_53 : vector<16xi32>
    %swap3A_55 = arith.constant 48 : index
    %swap3A_56 = tpu.vector_load %arg10[%swap3A_55] {strides = array<i32>} : memref<128xi32, #tpu.memory_space<vmem>>, vector<16xi32>,
    %swap3A_57 = vector.shape_cast %swap3A_56 : vector<16xi32> to vector<16xi32>
    %swap3A_58 = vector.shape_cast %add3A_54 : vector<16xi32> to vector<16xi32>
    tpu.vector_store %arg10[%swap3A_55], %swap3A_58 {strides = array<i32>} : memref<128xi32, #tpu.memory_space<vmem>>, vector<16xi32>,
    %mul3A_59 = arith.constant 8 : i32
    %mul3A_60 = arith.muli %add3A, %mul3A_59 : i32
    %add3A_61 = arith.constant 4 : i32
    %add3A_62 = arith.addi %mul3A_60, %add3A_61 : i32
    %mul3A_63 = arith.constant 2048 : i32
    %mul3A_64 = arith.muli %add3A_62, %mul3A_63 : i32
    %add3A_65 = vector.broadcast %mul3A_64 : i32 to vector<16xi32>
    %add3A_66 = arith.addi %get3A_11, %add3A_65 : vector<16xi32>
    %swap3A_67 = arith.constant 64 : index
    %swap3A_68 = tpu.vector_load %arg10[%swap3A_67] {strides = array<i32>} : memref<128xi32, #tpu.memory_space<vmem>>, vector<16xi32>,
    %swap3A_69 = vector.shape_cast %swap3A_68 : vector<16xi32> to vector<16xi32>
    %swap3A_70 = vector.shape_cast %add3A_66 : vector<16xi32> to vector<16xi32>
    tpu.vector_store %arg10[%swap3A_67], %swap3A_70 {strides = array<i32>} : memref<128xi32, #tpu.memory_space<vmem>>, vector<16xi32>,
    %mul3A_71 = arith.constant 8 : i32
    %mul3A_72 = arith.muli %add3A, %mul3A_71 : i32
    %add3A_73 = arith.constant 5 : i32
    %add3A_74 = arith.addi %mul3A_72, %add3A_73 : i32
    %mul3A_75 = arith.constant 2048 : i32
    %mul3A_76 = arith.muli %add3A_74, %mul3A_75 : i32
    %add3A_77 = vector.broadcast %mul3A_76 : i32 to vector<16xi32>
    %add3A_78 = arith.addi %get3A_11, %add3A_77 : vector<16xi32>
    %swap3A_79 = arith.constant 80 : index
    %swap3A_80 = tpu.vector_load %arg10[%swap3A_79] {strides = array<i32>} : memref<128xi32, #tpu.memory_space<vmem>>, vector<16xi32>,
    %swap3A_81 = vector.shape_cast %swap3A_80 : vector<16xi32> to vector<16xi32>
    %swap3A_82 = vector.shape_cast %add3A_78 : vector<16xi32> to vector<16xi32>
    tpu.vector_store %arg10[%swap3A_79], %swap3A_82 {strides = array<i32>} : memref<128xi32, #tpu.memory_space<vmem>>, vector<16xi32>,
    %mul3A_83 = arith.constant 8 : i32
    %mul3A_84 = arith.muli %add3A, %mul3A_83 : i32
    %add3A_85 = arith.constant 6 : i32
    %add3A_86 = arith.addi %mul3A_84, %add3A_85 : i32
    %mul3A_87 = arith.constant 2048 : i32
    %mul3A_88 = arith.muli %add3A_86, %mul3A_87 : i32
    %add3A_89 = vector.broadcast %mul3A_88 : i32 to vector<16xi32>
    %add3A_90 = arith.addi %get3A_11, %add3A_89 : vector<16xi32>
    %swap3A_91 = arith.constant 96 : index
    %swap3A_92 = tpu.vector_load %arg10[%swap3A_91] {strides = array<i32>} : memref<128xi32, #tpu.memory_space<vmem>>, vector<16xi32>,
    %swap3A_93 = vector.shape_cast %swap3A_92 : vector<16xi32> to vector<16xi32>
    %swap3A_94 = vector.shape_cast %add3A_90 : vector<16xi32> to vector<16xi32>
    tpu.vector_store %arg10[%swap3A_91], %swap3A_94 {strides = array<i32>} : memref<128xi32, #tpu.memory_space<vmem>>, vector<16xi32>,
    %mul3A_95 = arith.constant 8 : i32
    %mul3A_96 = arith.muli %add3A, %mul3A_95 : i32
    %add3A_97 = arith.constant 7 : i32
    %add3A_98 = arith.addi %mul3A_96, %add3A_97 : i32
    %mul3A_99 = arith.constant 2048 : i32
    %mul3A_100 = arith.muli %add3A_98, %mul3A_99 : i32
    %add3A_101 = vector.broadcast %mul3A_100 : i32 to vector<16xi32>
    %add3A_102 = arith.addi %get3A_11, %add3A_101 : vector<16xi32>
    %swap3A_103 = arith.constant 112 : index
    %swap3A_104 = tpu.vector_load %arg10[%swap3A_103] {strides = array<i32>} : memref<128xi32, #tpu.memory_space<vmem>>, vector<16xi32>,
    %swap3A_105 = vector.shape_cast %swap3A_104 : vector<16xi32> to vector<16xi32>
    %swap3A_106 = vector.shape_cast %add3A_102 : vector<16xi32> to vector<16xi32>
    tpu.vector_store %arg10[%swap3A_103], %swap3A_106 {strides = array<i32>} : memref<128xi32, #tpu.memory_space<vmem>>, vector<16xi32>,
    %dma_wait3A = arith.constant 0 : i32
    %dma_wait3A_107 = tpu.memref_slice %arg4[%mul3A_2, %dma_wait3A] : memref<2048x128xf32, #tpu.memory_space<hbm>> -> memref<128x128xf32, #tpu.memory_space<hbm>>
    %dma_wait3A_108 = arith.constant 0 : i32
    %dma_wait3A_109 = tpu.memref_slice %arg4[%mul3A_2, %dma_wait3A_108] : memref<2048x128xf32, #tpu.memory_space<hbm>> -> memref<128x128xf32, #tpu.memory_space<hbm>>
    tpu.wait_dma2 semaphore(%arg13 : memref<!tpu.dma_semaphore, #tpu.memory_space<semaphore_mem>>) src(%dma_wait3A_109 : memref<128x128xf32, #tpu.memory_space<hbm>>) dst(%arg11 : memref<128x128xf32, #tpu.memory_space<vmem>>)
    %dma_wait3A_110 = arith.constant 0 : i32
    %dma_wait3A_111 = tpu.memref_slice %arg5[%mul3A_2, %dma_wait3A_110] : memref<2048x128xf32, #tpu.memory_space<hbm>> -> memref<128x128xf32, #tpu.memory_space<hbm>>
    %dma_wait3A_112 = arith.constant 0 : i32
    %dma_wait3A_113 = tpu.memref_slice %arg5[%mul3A_2, %dma_wait3A_112] : memref<2048x128xf32, #tpu.memory_space<hbm>> -> memref<128x128xf32, #tpu.memory_space<hbm>>
    tpu.wait_dma2 semaphore(%arg14 : memref<!tpu.dma_semaphore, #tpu.memory_space<semaphore_mem>>) src(%dma_wait3A_113 : memref<128x128xf32, #tpu.memory_space<hbm>>) dst(%arg12 : memref<128x128xf32, #tpu.memory_space<vmem>>)
    %dma_start3A_114 = arith.constant 0 : i32
    %dma_start3A_115 = arith.constant 0 : i32
    %dma_start3A_116 = tpu.memref_slice %arg2[%dma_start3A_114, %dma_start3A_115] : memref<262144x128xf32, #tpu.memory_space<hbm>> -> memref<262144x128xf32, #tpu.memory_space<hbm>>
    tpu.enqueue_indirect_dma source(%arg11 : memref<128x128xf32, #tpu.memory_space<vmem>>) target(%dma_start3A_116 : memref<262144x128xf32, #tpu.memory_space<hbm>>) offsets(%arg10 : memref<128xi32, #tpu.memory_space<vmem>>) semaphore(%arg13 : memref<!tpu.dma_semaphore, #tpu.memory_space<semaphore_mem>>)
    %dma_start3A_117 = arith.constant 0 : i32
    %dma_start3A_118 = arith.constant 0 : i32
    %dma_start3A_119 = tpu.memref_slice %arg3[%dma_start3A_117, %dma_start3A_118] : memref<262144x128xf32, #tpu.memory_space<hbm>> -> memref<262144x128xf32, #tpu.memory_space<hbm>>
    tpu.enqueue_indirect_dma source(%arg12 : memref<128x128xf32, #tpu.memory_space<vmem>>) target(%dma_start3A_119 : memref<262144x128xf32, #tpu.memory_space<hbm>>) offsets(%arg10 : memref<128xi32, #tpu.memory_space<vmem>>) semaphore(%arg14 : memref<!tpu.dma_semaphore, #tpu.memory_space<semaphore_mem>>)
    %dma_wait3A_120 = arith.constant 0 : i32
    %dma_wait3A_121 = arith.constant 0 : i32
    %dma_wait3A_122 = tpu.memref_slice %arg2[%dma_wait3A_120, %dma_wait3A_121] : memref<262144x128xf32, #tpu.memory_space<hbm>> -> memref<262144x128xf32, #tpu.memory_space<hbm>>
    tpu.wait_indirect_dma semaphore(%arg13 : memref<!tpu.dma_semaphore, #tpu.memory_space<semaphore_mem>>) src(%arg11 : memref<128x128xf32, #tpu.memory_space<vmem>>) dst(%dma_wait3A_122 : memref<262144x128xf32, #tpu.memory_space<hbm>>)
    %dma_wait3A_123 = arith.constant 0 : i32
    %dma_wait3A_124 = arith.constant 0 : i32
    %dma_wait3A_125 = tpu.memref_slice %arg3[%dma_wait3A_123, %dma_wait3A_124] : memref<262144x128xf32, #tpu.memory_space<hbm>> -> memref<262144x128xf32, #tpu.memory_space<hbm>>
    tpu.wait_indirect_dma semaphore(%arg14 : memref<!tpu.dma_semaphore, #tpu.memory_space<semaphore_mem>>) src(%arg12 : memref<128x128xf32, #tpu.memory_space<vmem>>) dst(%dma_wait3A_125 : memref<262144x128xf32, #tpu.memory_space<hbm>>)
    return
  }
}

</mosaic_0001>

<sc_bundles>
// kernel: kernel.3.cloned.1.call-start
scs
__scs_entry_jumppad:
0x0: {  	(pc) =	sbr.rel $0x88, $3  }
0x1: {  	(tag) =	ssettag $0x0;
	lr =	simm.s32 $0x1  }
0x2: {  	[smem:$0x3F9C] =	sst lr;
	_ =	strace $0xD0000000  }
0x3: {  	_ = 	snop  }
0x4: {  	_ = 	snop  }
0x5: {  	_ = 	snop  }
0x6: {  	_ = 	snop  }
0x7: {  	_ = 	snop  }
__scs_overlays_trampoline_lowered:
0x8: {  	[smem:$0x3FAB] =	sst s0  }
0x9: {  	[smem:$0x3FAC] =	sst s1  }
0xa: {  	[smem:$0x3FAD] =	sst s2  }
0xb: {  	[smem:$0x3FAE] =	sst s3  }
0xc: {  	[smem:$0x3FAF] =	sst s4  }
0xd: {  	[smem:$0x3FB0] =	sst s5  }
0xe: {  	[smem:$0x3FB1] =	sst s6  }
0xf: {  	[smem:$0x3FB2] =	sst s7  }
0x10: {  	[smem:$0x3FB3] =	sst s8  }
0x11: {  	[smem:$0x3FB4] =	sst s9;
	s0 =	simm.s32 @!p0 $0x0  }
0x12: {  	s1 =	sld [smem:$0x3F9A];
	s0 =	simm.s32 @p0 $0x1  }
0x13: {  	[smem:$0x3FB5] =	sst s0;
	s0 =	simm.s32 @!p1 $0x0  }
0x14: {  	s2 =	sld [smem:$0x3F99];
	s0 =	simm.s32 @p1 $0x1  }
0x15: {  	[smem:$0x3FB6] =	sst s0;
	s0 =	simm.s32 @!p2 $0x0  }
0x16: {  	s3 =	sld [smem:$0x3FDB];
	s0 =	simm.s32 @p2 $0x1  }
0x17: {  	s4 =	simm.s32 $0x1BF5;
	[smem:$0x3FB8] =	sst s0  }
0x18: {  	s0 =	sld [smem:$0x3F9B];
	_ =	swait.ge [sflag:s4], $0x0  }
0x19: {  	s7 =	sld [smem:$0x3F9C]  }
0x1a: {  	s8 =	sadd.s32 $0xFFFFE003, lr  }
0x1b: {  	s9 =	sadd.s32 $0xFFFFFEF7, lr;
	s5 =	simm.s32 $0xFFFFFFFF;
	p2 =	slt.u32 s8, $0xFFFFF086  }
0x1c: {  	p1 =	slt.u32 s9, $0xF7A;
	s5 =	simm.s32 @!p2 $0x0  }
0x1d: {  	s5 =	simm.s32 @p1 $0x1;
	p0 =	seq.s32 s7, s2  }
0x1e: {  	s7 =	smul.u32 @!p0 $0xF7A, s2;
	p2 =	seq.s32 @!p0 s5, $0x0  }
0x1f: {  	s9 =	smul.u32 $0xF7A, s1;
	s8 =	simm.s32 @!p0 $0x1BF5;
	p2 =	por !p2, p0  }
0x20: {  	[sflag:s8] =	ssyncset.s32 @!p0 $0xFFFFF086;
	s6 =	sadd.s32 @!p0 s3, s7;
	s7 =	simm.s32 @!p0 $0x108  }
0x21: {  	s3 =	sadd.s32 s3, s9;
	s6 =	sadd.s32 @!p0 $0x88, s6;
	s7 =	simm.s32 @p2 $0x1082  }
0x22: {  	[simem:s7], [sflag:s8] =	dma.local @!p0 [hbm:s6], $0xF7A  }
0x23: {  	s9 =	sor.u32 $0xD0000000, s2;
	s6 =	simm.s32 $0x108;
	_ =	swait.ge @!p0 [sflag:s8], $0x0  }
0x24: {  	s3 =	sadd.s32 $0x88, s3;
	s6 =	simm.s32 @!p1 $0x1082;
	[sflag:s4] =	ssyncset.s32 $0xFFFFF086  }
0x25: {  	[simem:s6], [sflag:s4] =	dma.local [hbm:s3], $0xF7A  }
0x26: {  	[smem:$0x3F9C] =	sst s1;
	(tag) =	ssettag s2;
	_ =	strace s9  }
0x27: {  	s1 =	sld [smem:$0x3FAC]  }
0x28: {  	s2 =	sld [smem:$0x3FAD]  }
0x29: {  	s4 =	sld [smem:$0x3FAF]  }
0x2a: {  	p0 =	seq.s32 s5, $0x0;
	s5 =	sld [smem:$0x3FB0]  }
0x2b: {  	s6 =	sld [smem:$0x3FB1]  }
0x2c: {  	s7 =	sld [smem:$0x3FB2]  }
0x2d: {  	s3 =	simm.s32 $0x108;
	s8 =	sld [smem:$0x3FB3]  }
0x2e: {  	s3 =	simm.s32 @!p0 $0x1082;
	s9 =	sld [smem:$0x3FB4]  }
0x2f: {  	lr =	sadd.s32 s0, s3;
	s0 =	sld [smem:$0x3FAB]  }
0x30: {  	s3 =	sld [smem:$0x3FAE]  }
0x31: {  	[smem:$0x3FB7] =	sst s10  }
0x32: {  	s10 =	sld [smem:$0x3FB5];
	_ =	sdelay $0x3  }
0x33: {  	p0 =	seq.s32 s10, $0x1;
	s10 =	sld [smem:$0x3FB7];
	_ =	sdelay $0x3  }
0x34: {  	[smem:$0x3FB7] =	sst s10  }
0x35: {  	s10 =	sld [smem:$0x3FB6];
	_ =	sdelay $0x3  }
0x36: {  	p1 =	seq.s32 s10, $0x1;
	s10 =	sld [smem:$0x3FB7];
	_ =	sdelay $0x3  }
0x37: {  	[smem:$0x3FB7] =	sst s10  }
0x38: {  	s10 =	sld [smem:$0x3FB8]  }
0x39: {  	_ = 	snop;
	(pc) =	sbr.ind lr, $3  }
0x3a: {  	_ = 	snop  }
0x3b: {  	_ = 	snop  }
0x3c: {  	p2 =	seq.s32 s10, $0x1;
	s10 =	sld [smem:$0x3FB7]  }
0x3d: {  	_ =	shalt  }
0x3e: {  	_ =	shalt  }
0x3f: {  	_ =	shalt  }
0x40: {  	_ =	shalt  }
0x41: {  	_ =	shalt  }
0x42: {  	_ =	shalt  }
0x43: {  	_ =	shalt  }
0x44: {  	_ =	shalt  }
0x45: {  	_ =	shalt  }
0x46: {  	_ =	shalt  }
0x47: {  	_ =	shalt  }
0x48: {  	_ =	shalt  }
0x49: {  	_ =	shalt  }
0x4a: {  	_ =	shalt  }
0x4b: {  	_ =	shalt  }
0x4c: {  	_ =	shalt  }
0x4d: {  	_ =	shalt  }
0x4e: {  	_ =	shalt  }
0x4f: {  	_ =	shalt  }
0x50: {  	_ =	shalt  }
0x51: {  	_ =	shalt  }
0x52: {  	_ =	shalt  }
0x53: {  	_ =	shalt  }
0x54: {  	_ =	shalt  }
0x55: {  	_ =	shalt  }
0x56: {  	_ =	shalt  }
0x57: {  	_ =	shalt  }
0x58: {  	_ =	shalt  }
0x59: {  	_ =	shalt  }
0x5a: {  	_ =	shalt  }
0x5b: {  	_ =	shalt  }
0x5c: {  	_ =	shalt  }
0x5d: {  	_ =	shalt  }
0x5e: {  	_ =	shalt  }
0x5f: {  	_ =	shalt  }
0x60: {  	_ =	shalt  }
0x61: {  	_ =	shalt  }
0x62: {  	_ =	shalt  }
0x63: {  	_ =	shalt  }
0x64: {  	_ =	shalt  }
0x65: {  	_ =	shalt  }
0x66: {  	_ =	shalt  }
0x67: {  	_ =	shalt  }
0x68: {  	_ =	shalt  }
0x69: {  	_ =	shalt  }
0x6a: {  	_ =	shalt  }
0x6b: {  	_ =	shalt  }
0x6c: {  	_ =	shalt  }
0x6d: {  	_ =	shalt  }
0x6e: {  	_ =	shalt  }
0x6f: {  	_ =	shalt  }
0x70: {  	_ =	shalt  }
0x71: {  	_ =	shalt  }
0x72: {  	_ =	shalt  }
0x73: {  	_ =	shalt  }
0x74: {  	_ =	shalt  }
0x75: {  	_ =	shalt  }
0x76: {  	_ =	shalt  }
0x77: {  	_ =	shalt  }
0x78: {  	_ =	shalt  }
0x79: {  	_ =	shalt  }
0x7a: {  	_ =	shalt  }
0x7b: {  	_ =	shalt  }
0x7c: {  	_ =	shalt  }
0x7d: {  	_ =	shalt  }
0x7e: {  	_ =	shalt  }
0x7f: {  	_ =	shalt  }
0x80: {  	_ =	shalt  }
0x81: {  	_ =	shalt  }
0x82: {  	_ =	shalt  }
0x83: {  	_ =	shalt  }
0x84: {  	_ =	shalt  }
0x85: {  	_ =	shalt  }
0x86: {  	_ =	shalt  }
0x87: {  	_ =	shalt  }
.Lfunc_end0:
.L_simem_size_0:
called_computation_lowered:
.L_overlay_start_0:
0x88: {  	s0 =	sld [smem:$0x3FD9]  }
0x89: {  	s1 =	sld [smem:$0x3FFE];
	_ =	sdelay $0x3  }
0x8a: {  	s0 =	sadd.s32 s1, s0  }
0x8b: {  	[smem:$0x3FC3] =	sst s0  }
0x8c: {  	_ = 	snop  }
0x8d: {  	s0 =	sld [smem:$0x3FD0]  }
0x8e: {  	s14 =	sld [smem:$0x3FC7]  }
0x8f: {  	s2 =	sld [smem:$0x3FC6]  }
0x90: {  	s4 =	simm.s32 $0xA;
	s5 =	simm.s32 $0x10;
	s3 =	sld [smem:$0x3FC5]  }
0x91: {  	[smem:s5], [sflag:s4] =	dma.local [hbm:s0], $0x1  }
0x92: {  	_ =	swait.eq [sflag:s4], $0x1  }
0x93: {  	[sflag:s4] =	ssyncset.done $0x0  }
0x94: {  	s15 =	sld [smem:$0x10];
	[sflag:s4] =	ssyncadd.s32 $0xFFFFFFFF  }
0x95: {  	s16 =	sld [smem:$0x11];
	(tm) =	ssettm $0x1  }
0x96: {  	s17 =	sld [smem:$0x3FFB];
	_ =	sdelay $0x3  }
0x97: {  	_ =	strace s17  }
0x98: {  	s5 =	sld [smem:$0x3FFC];
	_ =	sdelay $0x3  }
0x99: {  	_ =	strace s5  }
0x9a: {  	s5 =	sld [smem:$0x3FFD];
	_ =	sdelay $0x3  }
0x9b: {  	_ =	strace s5  }
0x9c: {  	_ =	strace $0x8FFFFFFF  }
0x9d: {  	s18 =	sld [smem:$0x3FDB];
	_ =	sdelay $0x1  }
0x9e: {  	s6 =	simm.s32 $_scs_section_size  }
0x9f: {  	s7 =	simm.s32 $_size__tile_overlayer_lowered;
	s8 =	simm.s32 $_tile_overlayer_lowered  }
0xa0: {  	s21 =	simm.s32 $0x1BFF;
	s20 =	sshll.u32 s8, $0x1;
	s5 =	sadd.s32 s6, s18  }
0xa1: {  	s9 =	simm.s32 $0x0;
	s19 =	sshll.u32 s7, $0x1;
	s7 =	sadd.s32 s20, s5  }
0xa2: {  	[timem:s9], [sflag:s21] =	dma.local [hbm:s7], s19  }
0xa3: {  	_ =	swait.ge [sflag:s21], s19  }
0xa4: {  	s6 =	ssub.s32 $0x0, s19;
	[sflag:s21] =	ssyncset.done $0x0  }
0xa5: {  	[sflag:s21] =	ssyncadd.s32 s6;
	_ =	sdelay $0x1  }
0xa6: {  	s22 =	simm.s32 $0x1B8B  }
0xa7: {  	_ =	swait.ge [sflag:s22], $0x1  }
0xa8: {  	[sflag:s22] =	ssyncset.done $0x0  }
0xa9: {  	s23 =	simm.s32 $0x1B8E;
	[sflag:s22] =	ssyncadd.s32 $0xFFFFFFFF  }
0xaa: {  	s24 =	simm.s32 $execute0_lowered;
	[smem:$0x3FD2] =	sst s23  }
0xab: {  	s6 =	sshll.u32 s24, $0x1;
	_ =	strace $0x80000046;
	[dreg:$0x1] =	wrdreg $0xFFFFFFFF  }
0xac: {  	s25 =	simm.s32 $_size_execute0_lowered;
	s5 =	sadd.s32 s5, s6;
	[dreg:$0x0] =	wrdreg $0x0  }
0xad: {  	s6 =	sshll.u32 s25, $0x1;
	[dreg:$0x2] =	wrdreg s5  }
0xae: {  	[dreg:$0x3] =	wrdreg s6  }
0xaf: {  	[dreg:$0x4] =	wrdreg $0xC0  }
0xb0: {  	_ =	task [dreg:s9], $0x5FFFF  }
0xb1: {  	[dreg:$0x1] =	wrdreg $0xFFFFFFFF  }
0xb2: {  	[dreg:$0x0] =	wrdreg $0x60  }
0xb3: {  	[dreg:$0x2] =	wrdreg s15  }
0xb4: {  	[dreg:$0x3] =	wrdreg s16  }
0xb5: {  	[dreg:$0x4] =	wrdreg s14  }
0xb6: {  	[dreg:$0x5] =	wrdreg s2  }
0xb7: {  	[dreg:$0x6] =	wrdreg s3  }
0xb8: {  	[dreg:$0x7] =	wrdreg $0x9  }
0xb9: {  	_ =	task.clear_ibuf [dreg:s9], $0x8FFFF;
	_ =	strace $0x90000046  }
0xba: {  	s26 =	simm.s32 $0x9;
	_ =	strace $0x80000048  }
0xbb: {  	_ =	swait.ge [sflag:s26], $0x1  }
0xbc: {  	[sflag:s26] =	ssyncadd.s32 $0xFFFFFFFF  }
0xbd: {  	_ =	strace $0x90000048  }
0xbe: {  	_ =	sfence  }
0xbf: {  	s28 =	sld [smem:$0x0];
	_ =	sdelay $0x1  }
0xc0: {  	s29 =	srdreg.scid  }
0xc1: {  	s30 =	sshll.u32 s29, $0xD;
	s31 =	sshrl.u32 s29, $0x2  }
0xc2: {  	s1 =	sand.u32 $0x1, s29;
	s2 =	sand.u32 $0x4000, s30;
	s0 =	sadd.s32 s31, s28  }
0xc3: {  	s1 =	sor.u32 s2, s1;
	s0 =	sshll.u32 s0, $0x11  }
0xc4: {  	s0 =	sor.u32 s0, s1  }
0xc5: {  	s0 =	sadd.s32 $0x8F2B, s0  }
0xc6: {  	[sflag:s0] =	ssyncadd.remote.s32 $0x1  }
0xc7: {  	_ =	sfence.sel $0xFFFF  }
0xc8: {  	[dreg:$0x0] =	wrdreg $0xFFFFFFFF;
	(pc) =	sbr.abs _section_cstart, $3  }
0xc9: {  	[dreg:$0x1] =	wrdreg $0xFFFFFFFF  }
0xca: {  	_ =	task.clear_ibuf [dreg:s9], $0x2FFFF;
	_ =	strace $0x9FFFFFFF  }
0xcb: {  	(tm) =	ssettm $0x7FFFFFFF  }
tec
execute0_lowered:
.L_overlay_start_1:
0x0: {  	(tag) =	ssettag $0x1  }
0x1: {  	s1 =	rddreg [dreg:$0x0]  }
0x2: {  	s2 =	rddreg [dreg:$0x1]  }
0x3: {  	s3 =	rddreg [dreg:$0x2]  }
0x4: {  	s4 =	rddreg [dreg:$0x3]  }
0x5: {  	s5 =	rddreg [dreg:$0x4]  }
0x6: {  	s0 =	rddreg [dreg:$0x5];
	s6 =	simm.s32 $0x0;
	s7 =	stileid.u32  }
0x7: {  	[smem:$0x7FF] =	sst s6;
	s8 =	sshll.u32 s7, $0xB  }
0x8: {  	s9 =	simm.s32 $0x100;
	_ =	strace $0x80000047;
	s3 =	sadd.s32 s3, s8  }
0x9: {  	[tilespmem:s9], [sflag:$0x1] =	stream.linear.gather [hbm4b:s3+s6], $0x4000, $0x38;
	[tilespmem:$0x8100] =	vst v63  }
0xa: {  	s19 =	simm.s32 $0x4100;
	s18 =	sadd.s32 s4, s8  }
0xb: {  	[tilespmem:s19], [sflag:$0x2] =	stream.linear.gather [hbm4b:s18+s6], $0x4000, $0x38;
	[tilespmem:$0x8100] =	vst v63  }
0xc: {  	s20 =	simm.s32 $0x3  }
0xd: {  	[tilespmem:s6], [sflag:$0x3] =	stream.linear.gather [hbm4b:s5+s6], $0x80, $0x38;
	[tilespmem:$0x8100] =	vst v63  }
0xe: {  	_ =	swait.ge [sflag:s20], $0x80  }
0xf: {  	[sflag:s20] =	ssyncset.done $0x0  }
0x10: {  	[sflag:s20] =	ssyncadd.s32 $0xFFFFFF80  }
0x11: {  	v0 =	vld [tilespmem:$0x0];
	_ =	sdelay $0x3  }
0x12: {  	s21 =	sshll.u32 s7, $0xE  }
0x13: {  	s22 =	sor.u32 $0x800, s21;
	v1 =	vadd.s32 s21, v0  }
0x14: {  	s23 =	sor.u32 $0x1000, s21;
	v58 =	vadd.s32 s22, v0;
	[tilespmem:$0x80] =	vst v1  }
0x15: {  	s24 =	sor.u32 $0x1800, s21;
	v59 =	vadd.s32 s23, v0;
	[tilespmem:$0x90] =	vst v58  }
0x16: {  	s25 =	sor.u32 $0x2000, s21;
	v60 =	vadd.s32 s24, v0;
	[tilespmem:$0xA0] =	vst v59  }
0x17: {  	s26 =	sor.u32 $0x2800, s21;
	v61 =	vadd.s32 s25, v0;
	[tilespmem:$0xB0] =	vst v60  }
0x18: {  	s28 =	sor.u32 $0x3000, s21;
	v62 =	vadd.s32 s26, v0;
	[tilespmem:$0xC0] =	vst v61  }
0x19: {  	s3 =	sor.u32 $0x3800, s21;
	v63 =	vadd.s32 s28, v0;
	[tilespmem:$0xD0] =	vst v62  }
0x1a: {  	v0 =	vadd.s32 s3, v0;
	[tilespmem:$0xE0] =	vst v63  }
0x1b: {  	s29 =	simm.s32 $0x1;
	[tilespmem:$0xF0] =	vst v0  }
0x1c: {  	_ =	swait.ge [sflag:s29], $0x4000  }
0x1d: {  	[sflag:s29] =	ssyncset.done $0x0  }
0x1e: {  	s30 =	simm.s32 $0x2;
	[sflag:s29] =	ssyncadd.s32 $0xFFFFC000  }
0x1f: {  	_ =	swait.ge [sflag:s30], $0x4000  }
0x20: {  	[sflag:s30] =	ssyncset.done $0x0  }
0x21: {  	s31 =	simm.s32 $0x80;
	[sflag:s30] =	ssyncadd.s32 $0xFFFFC000  }
0x22: {  	[hbm4b:s1+s31] =	stream.indirect.scatter [tilespmem:s9], [sflag:$0x1], $0x80, s31, s31, $0xb8;
	[tilespmem:$0x8100] =	vst v63  }
0x23: {  	_ = 	snop  }
0x24: {  	[hbm4b:s2+s31] =	stream.indirect.scatter [tilespmem:s19], [sflag:$0x2], $0x80, s31, s31, $0xb8;
	[tilespmem:$0x8100] =	vst v63  }
0x25: {  	_ =	swait.ge [sflag:s29], $0x4000  }
0x26: {  	[sflag:s29] =	ssyncset.done $0x0  }
0x27: {  	[sflag:s29] =	ssyncadd.s32 $0xFFFFC000  }
0x28: {  	_ =	swait.ge [sflag:s30], $0x4000  }
0x29: {  	[sflag:s30] =	ssyncset.done $0x0  }
0x2a: {  	[sflag:s30] =	ssyncadd.s32 $0xFFFFC000  }
0x2b: {  	_ =	sfence.sel $0x180000  }
0x2c: {  	[bflag:$0x0] =	sbarrier.arrive $0xFFFF  }
0x2d: {  	p0 =	sne.s32 s7, $0x0;
	_ =	strace $0x90000047  }
0x2e: {  	s0 =	sadd.s32 @!p0 $0x100000, s0;
	[bflag:$0x2] =	sbarrier.arrive $0xFFFF  }
0x2f: {  	[sflag:s0] =	ssyncadd.tile.s32 @!p0 $0x1;
	_ =	shalt  }
.Lfunc_end2:
_tile_overlayer_lowered:
.L_overlay_start_2:
0x30: {  	(tag) =	ssettag $0x2  }
0x31: {  	s0 =	rddreg [dreg:$0x0];
	s2 =	stileid.u32  }
0x32: {  	s1 =	rddreg [dreg:$0x1];
	p0 =	sne.s32 s2, $0x0  }
0x33: {  	s3 =	rddreg [dreg:$0x2];
	[bflag:$0x3] =	sbarrier.arrive $0xFFFF;
	s2 =	simm.s32 @!p0 $0x1C03  }
0x34: {  	[timem:s3], [sflag:s2] =	dma.local @!p0 [hbm:s0], s1  }
0x35: {  	s0 =	simm.s32 @!p0 $0x3  }
0x36: {  	_ =	swait.ge @!p0 [sflag:s0], s1  }
0x37: {  	s1 =	ssub.s32 @!p0 $0x0, s1;
	[sflag:s0] =	ssyncset.done @!p0 $0x0  }
0x38: {  	[sflag:s0] =	ssyncadd.s32 @!p0 s1  }
0x39: {  	[bflag:$0x3] =	sbarrier.arrive $0xFFFF  }
0x3a: {  	_ =	shalt  }

</sc_bundles>
